<compile_context>
chip_gen: v7x
topology: tpu7x:2x2x1
jax: 0.10.2.dev20260603
libtpu: 0.0.44.dev20260713+nightly
codegen_flags: <defaults>
</compile_context>

<pallas_src>
import functools

import jax
import jax.numpy as jnp
from jax import lax
from jax.experimental import pallas as pl
from jax.experimental.pallas import tpu as pltpu
from jax.experimental.pallas import tpu_sc as plsc

NC = 2
NS = 16
NW = NC * NS
LANES = 16
CH = 128
EPS = 1e-8


def _emb_body(ids_hbm, seg_hbm, word_hbm, pos_hbm, segemb_hbm, gam_hbm,
              bet_hbm, out_hbm, ids_v, segs_v, pos_v, g_v, b_v, bufA, bufB,
              semA, semB, *, n_chunks, L, D):
  wid = lax.axis_index("s") * NC + lax.axis_index("c")
  nk = D // LANES

  pltpu.sync_copy(ids_hbm.at[wid], ids_v)
  pltpu.sync_copy(seg_hbm.at[wid], segs_v)
  pltpu.sync_copy(pos_hbm, pos_v)
  pltpu.sync_copy(gam_hbm, g_v)
  pltpu.sync_copy(bet_hbm, b_v)

  gs = [g_v[pl.ds(k * LANES, LANES)] for k in range(nk)]
  bs = [b_v[pl.ds(k * LANES, LANES)] for k in range(nk)]

  inv_d = 1.0 / D
  base = wid * (n_chunks * CH)

  def chunk_body(j, carry):
    pltpu.async_copy(word_hbm.at[ids_v.at[j]], bufA, semA)
    pltpu.async_copy(segemb_hbm.at[segs_v.at[j]], bufB, semB)
    pltpu.make_async_copy(word_hbm.at[ids_v.at[j]], bufA, semA).wait()
    pltpu.make_async_copy(segemb_hbm.at[segs_v.at[j]], bufB, semB).wait()

    p0 = lax.rem(j * CH, L)

    def row_body(t, rc):
      p = p0 + t
      p = jnp.where(p >= L, p - L, p)
      xs = []
      for k in range(nk):
        sl = pl.ds(k * LANES, LANES)
        xs.append(bufA[t, sl] + bufB[t, sl] + pos_v[p, sl])
      s = xs[0]
      sq = xs[0] * xs[0]
      for k in range(1, nk):
        s = s + xs[k]
        sq = sq + xs[k] * xs[k]
      tot = jnp.sum(s)
      tot2 = jnp.sum(sq)
      mv = jnp.full((LANES,), tot, dtype=jnp.float32) * inv_d
      varv = jnp.full((LANES,), tot2, dtype=jnp.float32) * inv_d - mv * mv
      vv = varv + EPS
      ii = plsc.bitcast(vv, jnp.int32)
      ii = jnp.int32(0x5F3759DF) - (ii >> 1)
      y = plsc.bitcast(ii, jnp.float32)
      for _ in range(3):
        y = y * (1.5 - 0.5 * vv * y * y)
      for k in range(nk):
        sl = pl.ds(k * LANES, LANES)
        bufA[t, sl] = (xs[k] - mv) * y * gs[k] + bs[k]
      return rc

    lax.fori_loop(0, CH, row_body, 0, unroll=False)
    pltpu.sync_copy(bufA, out_hbm.at[pl.ds(base + j * CH, CH)])
    return carry

  lax.fori_loop(0, n_chunks, chunk_body, 0, unroll=False)


def kernel(input_ids, segment_ids, word_embedding, position_embedding,
           segment_embedding, ln_gamma, ln_beta):
  B, L = input_ids.shape
  V, D = word_embedding.shape
  total = B * L
  n_chunks = total // (NW * CH)

  ids = input_ids.reshape(NW, n_chunks, CH)
  segs = segment_ids.reshape(NW, n_chunks, CH)
  pos = position_embedding[:L]

  mesh = plsc.VectorSubcoreMesh(core_axis_name="c", subcore_axis_name="s",
                                num_cores=NC, num_subcores=NS)
  body = functools.partial(_emb_body, n_chunks=n_chunks, L=L, D=D)
  run = pl.kernel(
      body,
      out_type=jax.ShapeDtypeStruct((total, D), jnp.float32),
      mesh=mesh,
      compiler_params=pltpu.CompilerParams(needs_layout_passes=False),
      scratch_types=[
          pltpu.VMEM((n_chunks, CH), jnp.int32),
          pltpu.VMEM((n_chunks, CH), jnp.int32),
          pltpu.VMEM((L, D), jnp.float32),
          pltpu.VMEM((D,), jnp.float32),
          pltpu.VMEM((D,), jnp.float32),
          pltpu.VMEM((CH, D), jnp.float32),
          pltpu.VMEM((CH, D), jnp.float32),
          pltpu.SemaphoreType.DMA,
          pltpu.SemaphoreType.DMA,
      ],
  )
  out = run(ids, segs, word_embedding, pos, segment_embedding,
            ln_gamma, ln_beta)
  return out.reshape(B, L, D)

# --- scband reference (transcript-rebuilt; emitter-appended) ---
"""Pipeline reference for scband-albert-embedding-14877766713414 (READ-ONLY COPY).

The authoritative reference and input builder live on the scoring server;
editing this copy changes nothing except your own understanding.
"""

import jax, jax.numpy as jnp
import numpy as np

VOCAB = 100000
MAXPOS = 512
TYPES = 2
DIM = 128
B = 1024
L = 200
EPS = 1e-08


def setup_inputs(seed: int = 0) -> dict:
    key = jax.random.key(seed)
    k1, k2, k3, k4, k5 = jax.random.split(key, 5)
    input_ids = jax.random.randint(k1, (B, L), 0, VOCAB, dtype=jnp.int32)
    segment_ids = jax.random.randint(k2, (B, L), 0, TYPES, dtype=jnp.int32)
    word_embedding = jax.random.normal(k3, (VOCAB, DIM), dtype=jnp.float32) * 0.02
    position_embedding = jax.random.normal(k4, (MAXPOS, DIM), dtype=jnp.float32) * 0.02
    segment_embedding = jax.random.normal(k5, (TYPES, DIM), dtype=jnp.float32) * 0.02
    ln_gamma = jnp.ones((DIM,), dtype=jnp.float32)
    ln_beta = jnp.zeros((DIM,), dtype=jnp.float32)
    return {
        "input_ids": input_ids,
        "segment_ids": segment_ids,
        "word_embedding": word_embedding,
        "position_embedding": position_embedding,
        "segment_embedding": segment_embedding,
        "ln_gamma": ln_gamma,
        "ln_beta": ln_beta,
    }


def reference(input_ids, segment_ids, word_embedding, position_embedding, segment_embedding, ln_gamma, ln_beta):
    # position ids: [1, L] broadcast over batch (tf.tile in original == broadcast)
    seq_len = input_ids.shape[1]
    position_embeddings = position_embedding[:seq_len][None, :, :]
    token_embeddings = jnp.take(word_embedding, input_ids, axis=0)
    token_type_embeddings = jnp.take(segment_embedding, segment_ids, axis=0)
    embeddings = token_embeddings + token_type_embeddings + position_embeddings
    # LayerNorm over last axis, epsilon=1e-8
    mean = jnp.mean(embeddings, axis=-1, keepdims=True)
    var = jnp.mean((embeddings - mean) ** 2, axis=-1, keepdims=True)
    normed = (embeddings - mean) / jnp.sqrt(var + EPS)
    out = normed * ln_gamma + ln_beta
    # dropout is identity in eval mode (training=None)
    return out

if __name__ == "__main__":
    import jax
    _d = setup_inputs()
    print(jax.jit(kernel)(*tuple(_d.values())))

</pallas_src>

<mosaic_0001>
#map = affine_map<(d0, d1) -> (0, 0, 0)>
#map1 = affine_map<(d0, d1) -> (0, 0)>
#map2 = affine_map<(d0, d1) -> (0)>
module attributes {stable_mosaic.version = 14 : i64} {
  func.func @_emb_body(%arg0: i32, %arg1: i32, %arg2: memref<32x50x128xi32, #tpu.memory_space<hbm>>, %arg3: memref<32x50x128xi32, #tpu.memory_space<hbm>>, %arg4: memref<100000x128xf32, #tpu.memory_space<hbm>>, %arg5: memref<200x128xf32, #tpu.memory_space<hbm>>, %arg6: memref<2x128xf32, #tpu.memory_space<hbm>>, %arg7: memref<128xf32, #tpu.memory_space<hbm>>, %arg8: memref<128xf32, #tpu.memory_space<hbm>>, %arg9: memref<204800x128xf32, #tpu.memory_space<hbm>>, %arg10: memref<50x128xi32, #tpu.memory_space<vmem>>, %arg11: memref<50x128xi32, #tpu.memory_space<vmem>>, %arg12: memref<200x128xf32, #tpu.memory_space<vmem>>, %arg13: memref<128xf32, #tpu.memory_space<vmem>>, %arg14: memref<128xf32, #tpu.memory_space<vmem>>, %arg15: memref<128x128xf32, #tpu.memory_space<vmem>>, %arg16: memref<128x128xf32, #tpu.memory_space<vmem>>, %arg17: memref<!tpu.dma_semaphore, #tpu.memory_space<semaphore_mem>>, %arg18: memref<!tpu.dma_semaphore, #tpu.memory_space<semaphore_mem>>) attributes {dimension_semantics = [#tpu.dimension_semantics<core_parallel>, #tpu.dimension_semantics<subcore_parallel>], iteration_bounds = array<i64: 2, 16>, scalar_prefetch = 0 : i64, scratch_operands = 9 : i64, tpu.core_type = #tpu.core_type<sc_vector_subcore>, window_params = [{transform_indices = #map}, {transform_indices = #map}, {transform_indices = #map1}, {transform_indices = #map1}, {transform_indices = #map1}, {transform_indices = #map2}, {transform_indices = #map2}, {transform_indices = #map1}]} {
    %mul3A = arith.constant 2 : i32
    %mul3A_0 = arith.muli %arg1, %mul3A : i32
    %add3A = arith.addi %mul3A_0, %arg0 : i32
    "tpu.region"() ({
      %run_scoped3A = tpu.sem_alloc : memref<!tpu.dma_semaphore, #tpu.memory_space<semaphore_mem>>
      %dma_start3A = arith.constant 0 : i32
      %dma_start3A_39 = arith.constant 0 : i32
      %dma_start3A_40 = tpu.memref_slice %arg2[%add3A, %dma_start3A, %dma_start3A_39] : memref<32x50x128xi32, #tpu.memory_space<hbm>> -> memref<1x50x128xi32, #tpu.memory_space<hbm>>
      %dma_start3A_41 = tpu.memref_squeeze %dma_start3A_40 : memref<1x50x128xi32, #tpu.memory_space<hbm>> -> memref<50x128xi32, #tpu.memory_space<hbm>>
      %dma_start3A_42 = arith.constant 0 : i32
      %dma_start3A_43 = arith.constant 0 : i32
      %dma_start3A_44 = tpu.memref_slice %arg2[%add3A, %dma_start3A_42, %dma_start3A_43] : memref<32x50x128xi32, #tpu.memory_space<hbm>> -> memref<1x50x128xi32, #tpu.memory_space<hbm>>
      %dma_start3A_45 = tpu.memref_squeeze %dma_start3A_44 : memref<1x50x128xi32, #tpu.memory_space<hbm>> -> memref<50x128xi32, #tpu.memory_space<hbm>>
      tpu.enqueue_dma source(%dma_start3A_45 : memref<50x128xi32, #tpu.memory_space<hbm>>) target(%arg10 : memref<50x128xi32, #tpu.memory_space<vmem>>) target_semaphore(%run_scoped3A : memref<!tpu.dma_semaphore, #tpu.memory_space<semaphore_mem>>)
      %dma_wait3A = arith.constant 0 : i32
      %dma_wait3A_46 = arith.constant 0 : i32
      %dma_wait3A_47 = tpu.memref_slice %arg2[%add3A, %dma_wait3A, %dma_wait3A_46] : memref<32x50x128xi32, #tpu.memory_space<hbm>> -> memref<1x50x128xi32, #tpu.memory_space<hbm>>
      %dma_wait3A_48 = tpu.memref_squeeze %dma_wait3A_47 : memref<1x50x128xi32, #tpu.memory_space<hbm>> -> memref<50x128xi32, #tpu.memory_space<hbm>>
      %dma_wait3A_49 = arith.constant 0 : i32
      %dma_wait3A_50 = arith.constant 0 : i32
      %dma_wait3A_51 = tpu.memref_slice %arg2[%add3A, %dma_wait3A_49, %dma_wait3A_50] : memref<32x50x128xi32, #tpu.memory_space<hbm>> -> memref<1x50x128xi32, #tpu.memory_space<hbm>>
      %dma_wait3A_52 = tpu.memref_squeeze %dma_wait3A_51 : memref<1x50x128xi32, #tpu.memory_space<hbm>> -> memref<50x128xi32, #tpu.memory_space<hbm>>
      tpu.wait_dma2 semaphore(%run_scoped3A : memref<!tpu.dma_semaphore, #tpu.memory_space<semaphore_mem>>) src(%dma_wait3A_52 : memref<50x128xi32, #tpu.memory_space<hbm>>) dst(%arg10 : memref<50x128xi32, #tpu.memory_space<vmem>>)
      tpu.yield
    }) : () -> ()
    "tpu.region"() ({
      %run_scoped3A = tpu.sem_alloc : memref<!tpu.dma_semaphore, #tpu.memory_space<semaphore_mem>>
      %dma_start3A = arith.constant 0 : i32
      %dma_start3A_39 = arith.constant 0 : i32
      %dma_start3A_40 = tpu.memref_slice %arg3[%add3A, %dma_start3A, %dma_start3A_39] : memref<32x50x128xi32, #tpu.memory_space<hbm>> -> memref<1x50x128xi32, #tpu.memory_space<hbm>>
      %dma_start3A_41 = tpu.memref_squeeze %dma_start3A_40 : memref<1x50x128xi32, #tpu.memory_space<hbm>> -> memref<50x128xi32, #tpu.memory_space<hbm>>
      %dma_start3A_42 = arith.constant 0 : i32
      %dma_start3A_43 = arith.constant 0 : i32
      %dma_start3A_44 = tpu.memref_slice %arg3[%add3A, %dma_start3A_42, %dma_start3A_43] : memref<32x50x128xi32, #tpu.memory_space<hbm>> -> memref<1x50x128xi32, #tpu.memory_space<hbm>>
      %dma_start3A_45 = tpu.memref_squeeze %dma_start3A_44 : memref<1x50x128xi32, #tpu.memory_space<hbm>> -> memref<50x128xi32, #tpu.memory_space<hbm>>
      tpu.enqueue_dma source(%dma_start3A_45 : memref<50x128xi32, #tpu.memory_space<hbm>>) target(%arg11 : memref<50x128xi32, #tpu.memory_space<vmem>>) target_semaphore(%run_scoped3A : memref<!tpu.dma_semaphore, #tpu.memory_space<semaphore_mem>>)
      %dma_wait3A = arith.constant 0 : i32
      %dma_wait3A_46 = arith.constant 0 : i32
      %dma_wait3A_47 = tpu.memref_slice %arg3[%add3A, %dma_wait3A, %dma_wait3A_46] : memref<32x50x128xi32, #tpu.memory_space<hbm>> -> memref<1x50x128xi32, #tpu.memory_space<hbm>>
      %dma_wait3A_48 = tpu.memref_squeeze %dma_wait3A_47 : memref<1x50x128xi32, #tpu.memory_space<hbm>> -> memref<50x128xi32, #tpu.memory_space<hbm>>
      %dma_wait3A_49 = arith.constant 0 : i32
      %dma_wait3A_50 = arith.constant 0 : i32
      %dma_wait3A_51 = tpu.memref_slice %arg3[%add3A, %dma_wait3A_49, %dma_wait3A_50] : memref<32x50x128xi32, #tpu.memory_space<hbm>> -> memref<1x50x128xi32, #tpu.memory_space<hbm>>
      %dma_wait3A_52 = tpu.memref_squeeze %dma_wait3A_51 : memref<1x50x128xi32, #tpu.memory_space<hbm>> -> memref<50x128xi32, #tpu.memory_space<hbm>>
      tpu.wait_dma2 semaphore(%run_scoped3A : memref<!tpu.dma_semaphore, #tpu.memory_space<semaphore_mem>>) src(%dma_wait3A_52 : memref<50x128xi32, #tpu.memory_space<hbm>>) dst(%arg11 : memref<50x128xi32, #tpu.memory_space<vmem>>)
      tpu.yield
    }) : () -> ()
    "tpu.region"() ({
      %run_scoped3A = tpu.sem_alloc : memref<!tpu.dma_semaphore, #tpu.memory_space<semaphore_mem>>
      tpu.enqueue_dma source(%arg5 : memref<200x128xf32, #tpu.memory_space<hbm>>) target(%arg12 : memref<200x128xf32, #tpu.memory_space<vmem>>) target_semaphore(%run_scoped3A : memref<!tpu.dma_semaphore, #tpu.memory_space<semaphore_mem>>)
      tpu.wait_dma2 semaphore(%run_scoped3A : memref<!tpu.dma_semaphore, #tpu.memory_space<semaphore_mem>>) src(%arg5 : memref<200x128xf32, #tpu.memory_space<hbm>>) dst(%arg12 : memref<200x128xf32, #tpu.memory_space<vmem>>)
      tpu.yield
    }) : () -> ()
    "tpu.region"() ({
      %run_scoped3A = tpu.sem_alloc : memref<!tpu.dma_semaphore, #tpu.memory_space<semaphore_mem>>
      tpu.enqueue_dma source(%arg7 : memref<128xf32, #tpu.memory_space<hbm>>) target(%arg13 : memref<128xf32, #tpu.memory_space<vmem>>) target_semaphore(%run_scoped3A : memref<!tpu.dma_semaphore, #tpu.memory_space<semaphore_mem>>)
      tpu.wait_dma2 semaphore(%run_scoped3A : memref<!tpu.dma_semaphore, #tpu.memory_space<semaphore_mem>>) src(%arg7 : memref<128xf32, #tpu.memory_space<hbm>>) dst(%arg13 : memref<128xf32, #tpu.memory_space<vmem>>)
      tpu.yield
    }) : () -> ()
    "tpu.region"() ({
      %run_scoped3A = tpu.sem_alloc : memref<!tpu.dma_semaphore, #tpu.memory_space<semaphore_mem>>
      tpu.enqueue_dma source(%arg8 : memref<128xf32, #tpu.memory_space<hbm>>) target(%arg14 : memref<128xf32, #tpu.memory_space<vmem>>) target_semaphore(%run_scoped3A : memref<!tpu.dma_semaphore, #tpu.memory_space<semaphore_mem>>)
      tpu.wait_dma2 semaphore(%run_scoped3A : memref<!tpu.dma_semaphore, #tpu.memory_space<semaphore_mem>>) src(%arg8 : memref<128xf32, #tpu.memory_space<hbm>>) dst(%arg14 : memref<128xf32, #tpu.memory_space<vmem>>)
      tpu.yield
    }) : () -> ()
    %get3A = arith.constant 0 : index
    %get3A_1 = tpu.vector_load %arg13[%get3A] {strides = array<i32>} : memref<128xf32, #tpu.memory_space<vmem>>, vector<16xf32>,
    %get3A_2 = arith.constant 16 : index
    %get3A_3 = tpu.vector_load %arg13[%get3A_2] {strides = array<i32>} : memref<128xf32, #tpu.memory_space<vmem>>, vector<16xf32>,
    %get3A_4 = arith.constant 32 : index
    %get3A_5 = tpu.vector_load %arg13[%get3A_4] {strides = array<i32>} : memref<128xf32, #tpu.memory_space<vmem>>, vector<16xf32>,
    %get3A_6 = arith.constant 48 : index
    %get3A_7 = tpu.vector_load %arg13[%get3A_6] {strides = array<i32>} : memref<128xf32, #tpu.memory_space<vmem>>, vector<16xf32>,
    %get3A_8 = arith.constant 64 : index
    %get3A_9 = tpu.vector_load %arg13[%get3A_8] {strides = array<i32>} : memref<128xf32, #tpu.memory_space<vmem>>, vector<16xf32>,
    %get3A_10 = arith.constant 80 : index
    %get3A_11 = tpu.vector_load %arg13[%get3A_10] {strides = array<i32>} : memref<128xf32, #tpu.memory_space<vmem>>, vector<16xf32>,
    %get3A_12 = arith.constant 96 : index
    %get3A_13 = tpu.vector_load %arg13[%get3A_12] {strides = array<i32>} : memref<128xf32, #tpu.memory_space<vmem>>, vector<16xf32>,
    %get3A_14 = arith.constant 112 : index
    %get3A_15 = tpu.vector_load %arg13[%get3A_14] {strides = array<i32>} : memref<128xf32, #tpu.memory_space<vmem>>, vector<16xf32>,
    %get3A_16 = arith.constant 0 : index
    %get3A_17 = tpu.vector_load %arg14[%get3A_16] {strides = array<i32>} : memref<128xf32, #tpu.memory_space<vmem>>, vector<16xf32>,
    %get3A_18 = arith.constant 16 : index
    %get3A_19 = tpu.vector_load %arg14[%get3A_18] {strides = array<i32>} : memref<128xf32, #tpu.memory_space<vmem>>, vector<16xf32>,
    %get3A_20 = arith.constant 32 : index
    %get3A_21 = tpu.vector_load %arg14[%get3A_20] {strides = array<i32>} : memref<128xf32, #tpu.memory_space<vmem>>, vector<16xf32>,
    %get3A_22 = arith.constant 48 : index
    %get3A_23 = tpu.vector_load %arg14[%get3A_22] {strides = array<i32>} : memref<128xf32, #tpu.memory_space<vmem>>, vector<16xf32>,
    %get3A_24 = arith.constant 64 : index
    %get3A_25 = tpu.vector_load %arg14[%get3A_24] {strides = array<i32>} : memref<128xf32, #tpu.memory_space<vmem>>, vector<16xf32>,
    %get3A_26 = arith.constant 80 : index
    %get3A_27 = tpu.vector_load %arg14[%get3A_26] {strides = array<i32>} : memref<128xf32, #tpu.memory_space<vmem>>, vector<16xf32>,
    %get3A_28 = arith.constant 96 : index
    %get3A_29 = tpu.vector_load %arg14[%get3A_28] {strides = array<i32>} : memref<128xf32, #tpu.memory_space<vmem>>, vector<16xf32>,
    %get3A_30 = arith.constant 112 : index
    %get3A_31 = tpu.vector_load %arg14[%get3A_30] {strides = array<i32>} : memref<128xf32, #tpu.memory_space<vmem>>, vector<16xf32>,
    %mul3A_32 = arith.constant 6400 : i32
    %mul3A_33 = arith.muli %add3A, %mul3A_32 : i32
    %scan3A = arith.constant 0 : i32
    %scan3A_34 = arith.constant 0 : i32
    %scan3A_35 = arith.constant 50 : i32
    %scan3A_36 = arith.addi %scan3A_34, %scan3A_35 : i32
    %scan3A_37 = arith.constant 1 : i32
    scf.for %scan3A_39 = %scan3A_34 to %scan3A_36 step %scan3A_37  : i32 {
      %dma_start3A = arith.constant 0 : i32
      %dma_start3A_40 = tpu.memref_slice %arg10[%scan3A_39, %dma_start3A] : memref<50x128xi32, #tpu.memory_space<vmem>> -> memref<1x128xi32, #tpu.memory_space<vmem>>
      %dma_start3A_41 = tpu.memref_squeeze %dma_start3A_40 : memref<1x128xi32, #tpu.memory_space<vmem>> -> memref<128xi32, #tpu.memory_space<vmem>>
      %dma_start3A_42 = arith.constant 0 : i32
      %dma_start3A_43 = arith.constant 0 : i32
      %dma_start3A_44 = tpu.memref_slice %arg4[%dma_start3A_42, %dma_start3A_43] : memref<100000x128xf32, #tpu.memory_space<hbm>> -> memref<100000x128xf32, #tpu.memory_space<hbm>>
      tpu.enqueue_indirect_dma source(%dma_start3A_44 : memref<100000x128xf32, #tpu.memory_space<hbm>>) target(%arg15 : memref<128x128xf32, #tpu.memory_space<vmem>>) offsets(%dma_start3A_41 : memref<128xi32, #tpu.memory_space<vmem>>) semaphore(%arg17 : memref<!tpu.dma_semaphore, #tpu.memory_space<semaphore_mem>>)
      %dma_start3A_45 = arith.constant 0 : i32
      %dma_start3A_46 = tpu.memref_slice %arg11[%scan3A_39, %dma_start3A_45] : memref<50x128xi32, #tpu.memory_space<vmem>> -> memref<1x128xi32, #tpu.memory_space<vmem>>
      %dma_start3A_47 = tpu.memref_squeeze %dma_start3A_46 : memref<1x128xi32, #tpu.memory_space<vmem>> -> memref<128xi32, #tpu.memory_space<vmem>>
      %dma_start3A_48 = arith.constant 0 : i32
      %dma_start3A_49 = arith.constant 0 : i32
      %dma_start3A_50 = tpu.memref_slice %arg6[%dma_start3A_48, %dma_start3A_49] : memref<2x128xf32, #tpu.memory_space<hbm>> -> memref<2x128xf32, #tpu.memory_space<hbm>>
      tpu.enqueue_indirect_dma source(%dma_start3A_50 : memref<2x128xf32, #tpu.memory_space<hbm>>) target(%arg16 : memref<128x128xf32, #tpu.memory_space<vmem>>) offsets(%dma_start3A_47 : memref<128xi32, #tpu.memory_space<vmem>>) semaphore(%arg18 : memref<!tpu.dma_semaphore, #tpu.memory_space<semaphore_mem>>)
      %dma_wait3A = arith.constant 0 : i32
      %dma_wait3A_51 = tpu.memref_slice %arg10[%scan3A_39, %dma_wait3A] : memref<50x128xi32, #tpu.memory_space<vmem>> -> memref<1x128xi32, #tpu.memory_space<vmem>>
      %dma_wait3A_52 = tpu.memref_squeeze %dma_wait3A_51 : memref<1x128xi32, #tpu.memory_space<vmem>> -> memref<128xi32, #tpu.memory_space<vmem>>
      %dma_wait3A_53 = arith.constant 0 : i32
      %dma_wait3A_54 = arith.constant 0 : i32
      %dma_wait3A_55 = tpu.memref_slice %arg4[%dma_wait3A_53, %dma_wait3A_54] : memref<100000x128xf32, #tpu.memory_space<hbm>> -> memref<100000x128xf32, #tpu.memory_space<hbm>>
      tpu.wait_indirect_dma semaphore(%arg17 : memref<!tpu.dma_semaphore, #tpu.memory_space<semaphore_mem>>) src(%dma_wait3A_55 : memref<100000x128xf32, #tpu.memory_space<hbm>>) dst(%arg15 : memref<128x128xf32, #tpu.memory_space<vmem>>)
      %dma_wait3A_56 = arith.constant 0 : i32
      %dma_wait3A_57 = tpu.memref_slice %arg11[%scan3A_39, %dma_wait3A_56] : memref<50x128xi32, #tpu.memory_space<vmem>> -> memref<1x128xi32, #tpu.memory_space<vmem>>
      %dma_wait3A_58 = tpu.memref_squeeze %dma_wait3A_57 : memref<1x128xi32, #tpu.memory_space<vmem>> -> memref<128xi32, #tpu.memory_space<vmem>>
      %dma_wait3A_59 = arith.constant 0 : i32
      %dma_wait3A_60 = arith.constant 0 : i32
      %dma_wait3A_61 = tpu.memref_slice %arg6[%dma_wait3A_59, %dma_wait3A_60] : memref<2x128xf32, #tpu.memory_space<hbm>> -> memref<2x128xf32, #tpu.memory_space<hbm>>
      tpu.wait_indirect_dma semaphore(%arg18 : memref<!tpu.dma_semaphore, #tpu.memory_space<semaphore_mem>>) src(%dma_wait3A_61 : memref<2x128xf32, #tpu.memory_space<hbm>>) dst(%arg16 : memref<128x128xf32, #tpu.memory_space<vmem>>)
      %mul3A_62 = arith.constant 128 : i32
      %mul3A_63 = arith.muli %scan3A_39, %mul3A_62 : i32
      %rem3A = arith.constant 200 : i32
      %rem3A_64 = arith.remsi %mul3A_63, %rem3A : i32
      %scan3A_65 = arith.constant 0 : i32
      %scan3A_66 = arith.constant 0 : i32
      %scan3A_67 = arith.constant 128 : i32
      %scan3A_68 = arith.addi %scan3A_66, %scan3A_67 : i32
      %scan3A_69 = arith.constant 1 : i32
      scf.for %scan3A_74 = %scan3A_66 to %scan3A_68 step %scan3A_69  : i32 {
        %add3A_75 = arith.addi %rem3A_64, %scan3A_74 : i32
        %ge3A = arith.constant 200 : i32
        %ge3A_76 = arith.cmpi sge, %add3A_75, %ge3A : i32
        %sub3A = arith.constant 200 : i32
        %sub3A_77 = arith.subi %add3A_75, %sub3A : i32
        %select_n3A = arith.select %ge3A_76, %sub3A_77, %add3A_75 : i32
        %get3A_78 = arith.index_cast %scan3A_74 : i32 to index
        %get3A_79 = arith.constant 0 : index
        %get3A_80 = tpu.vector_load %arg15[%get3A_78, %get3A_79] {strides = array<i32>} : memref<128x128xf32, #tpu.memory_space<vmem>>, vector<16xf32>,
        %get3A_81 = arith.index_cast %scan3A_74 : i32 to index
        %get3A_82 = arith.constant 0 : index
        %get3A_83 = tpu.vector_load %arg16[%get3A_81, %get3A_82] {strides = array<i32>} : memref<128x128xf32, #tpu.memory_space<vmem>>, vector<16xf32>,
        %add3A_84 = arith.addf %get3A_80, %get3A_83 : vector<16xf32>
        %get3A_85 = arith.index_cast %select_n3A : i32 to index
        %get3A_86 = arith.constant 0 : index
        %get3A_87 = tpu.vector_load %arg12[%get3A_85, %get3A_86] {strides = array<i32>} : memref<200x128xf32, #tpu.memory_space<vmem>>, vector<16xf32>,
        %add3A_88 = arith.addf %add3A_84, %get3A_87 : vector<16xf32>
        %get3A_89 = arith.index_cast %scan3A_74 : i32 to index
        %get3A_90 = arith.constant 16 : index
        %get3A_91 = tpu.vector_load %arg15[%get3A_89, %get3A_90] {strides = array<i32>} : memref<128x128xf32, #tpu.memory_space<vmem>>, vector<16xf32>,
        %get3A_92 = arith.index_cast %scan3A_74 : i32 to index
        %get3A_93 = arith.constant 16 : index
        %get3A_94 = tpu.vector_load %arg16[%get3A_92, %get3A_93] {strides = array<i32>} : memref<128x128xf32, #tpu.memory_space<vmem>>, vector<16xf32>,
        %add3A_95 = arith.addf %get3A_91, %get3A_94 : vector<16xf32>
        %get3A_96 = arith.index_cast %select_n3A : i32 to index
        %get3A_97 = arith.constant 16 : index
        %get3A_98 = tpu.vector_load %arg12[%get3A_96, %get3A_97] {strides = array<i32>} : memref<200x128xf32, #tpu.memory_space<vmem>>, vector<16xf32>,
        %add3A_99 = arith.addf %add3A_95, %get3A_98 : vector<16xf32>
        %get3A_100 = arith.index_cast %scan3A_74 : i32 to index
        %get3A_101 = arith.constant 32 : index
        %get3A_102 = tpu.vector_load %arg15[%get3A_100, %get3A_101] {strides = array<i32>} : memref<128x128xf32, #tpu.memory_space<vmem>>, vector<16xf32>,
        %get3A_103 = arith.index_cast %scan3A_74 : i32 to index
        %get3A_104 = arith.constant 32 : index
        %get3A_105 = tpu.vector_load %arg16[%get3A_103, %get3A_104] {strides = array<i32>} : memref<128x128xf32, #tpu.memory_space<vmem>>, vector<16xf32>,
        %add3A_106 = arith.addf %get3A_102, %get3A_105 : vector<16xf32>
        %get3A_107 = arith.index_cast %select_n3A : i32 to index
        %get3A_108 = arith.constant 32 : index
        %get3A_109 = tpu.vector_load %arg12[%get3A_107, %get3A_108] {strides = array<i32>} : memref<200x128xf32, #tpu.memory_space<vmem>>, vector<16xf32>,
        %add3A_110 = arith.addf %add3A_106, %get3A_109 : vector<16xf32>
        %get3A_111 = arith.index_cast %scan3A_74 : i32 to index
        %get3A_112 = arith.constant 48 : index
        %get3A_113 = tpu.vector_load %arg15[%get3A_111, %get3A_112] {strides = array<i32>} : memref<128x128xf32, #tpu.memory_space<vmem>>, vector<16xf32>,
        %get3A_114 = arith.index_cast %scan3A_74 : i32 to index
        %get3A_115 = arith.constant 48 : index
        %get3A_116 = tpu.vector_load %arg16[%get3A_114, %get3A_115] {strides = array<i32>} : memref<128x128xf32, #tpu.memory_space<vmem>>, vector<16xf32>,
        %add3A_117 = arith.addf %get3A_113, %get3A_116 : vector<16xf32>
        %get3A_118 = arith.index_cast %select_n3A : i32 to index
        %get3A_119 = arith.constant 48 : index
        %get3A_120 = tpu.vector_load %arg12[%get3A_118, %get3A_119] {strides = array<i32>} : memref<200x128xf32, #tpu.memory_space<vmem>>, vector<16xf32>,
        %add3A_121 = arith.addf %add3A_117, %get3A_120 : vector<16xf32>
        %get3A_122 = arith.index_cast %scan3A_74 : i32 to index
        %get3A_123 = arith.constant 64 : index
        %get3A_124 = tpu.vector_load %arg15[%get3A_122, %get3A_123] {strides = array<i32>} : memref<128x128xf32, #tpu.memory_space<vmem>>, vector<16xf32>,
        %get3A_125 = arith.index_cast %scan3A_74 : i32 to index
        %get3A_126 = arith.constant 64 : index
        %get3A_127 = tpu.vector_load %arg16[%get3A_125, %get3A_126] {strides = array<i32>} : memref<128x128xf32, #tpu.memory_space<vmem>>, vector<16xf32>,
        %add3A_128 = arith.addf %get3A_124, %get3A_127 : vector<16xf32>
        %get3A_129 = arith.index_cast %select_n3A : i32 to index
        %get3A_130 = arith.constant 64 : index
        %get3A_131 = tpu.vector_load %arg12[%get3A_129, %get3A_130] {strides = array<i32>} : memref<200x128xf32, #tpu.memory_space<vmem>>, vector<16xf32>,
        %add3A_132 = arith.addf %add3A_128, %get3A_131 : vector<16xf32>
        %get3A_133 = arith.index_cast %scan3A_74 : i32 to index
        %get3A_134 = arith.constant 80 : index
        %get3A_135 = tpu.vector_load %arg15[%get3A_133, %get3A_134] {strides = array<i32>} : memref<128x128xf32, #tpu.memory_space<vmem>>, vector<16xf32>,
        %get3A_136 = arith.index_cast %scan3A_74 : i32 to index
        %get3A_137 = arith.constant 80 : index
        %get3A_138 = tpu.vector_load %arg16[%get3A_136, %get3A_137] {strides = array<i32>} : memref<128x128xf32, #tpu.memory_space<vmem>>, vector<16xf32>,
        %add3A_139 = arith.addf %get3A_135, %get3A_138 : vector<16xf32>
        %get3A_140 = arith.index_cast %select_n3A : i32 to index
        %get3A_141 = arith.constant 80 : index
        %get3A_142 = tpu.vector_load %arg12[%get3A_140, %get3A_141] {strides = array<i32>} : memref<200x128xf32, #tpu.memory_space<vmem>>, vector<16xf32>,
        %add3A_143 = arith.addf %add3A_139, %get3A_142 : vector<16xf32>
        %get3A_144 = arith.index_cast %scan3A_74 : i32 to index
        %get3A_145 = arith.constant 96 : index
        %get3A_146 = tpu.vector_load %arg15[%get3A_144, %get3A_145] {strides = array<i32>} : memref<128x128xf32, #tpu.memory_space<vmem>>, vector<16xf32>,
        %get3A_147 = arith.index_cast %scan3A_74 : i32 to index
        %get3A_148 = arith.constant 96 : index
        %get3A_149 = tpu.vector_load %arg16[%get3A_147, %get3A_148] {strides = array<i32>} : memref<128x128xf32, #tpu.memory_space<vmem>>, vector<16xf32>,
        %add3A_150 = arith.addf %get3A_146, %get3A_149 : vector<16xf32>
        %get3A_151 = arith.index_cast %select_n3A : i32 to index
        %get3A_152 = arith.constant 96 : index
        %get3A_153 = tpu.vector_load %arg12[%get3A_151, %get3A_152] {strides = array<i32>} : memref<200x128xf32, #tpu.memory_space<vmem>>, vector<16xf32>,
        %add3A_154 = arith.addf %add3A_150, %get3A_153 : vector<16xf32>
        %get3A_155 = arith.index_cast %scan3A_74 : i32 to index
        %get3A_156 = arith.constant 112 : index
        %get3A_157 = tpu.vector_load %arg15[%get3A_155, %get3A_156] {strides = array<i32>} : memref<128x128xf32, #tpu.memory_space<vmem>>, vector<16xf32>,
        %get3A_158 = arith.index_cast %scan3A_74 : i32 to index
        %get3A_159 = arith.constant 112 : index
        %get3A_160 = tpu.vector_load %arg16[%get3A_158, %get3A_159] {strides = array<i32>} : memref<128x128xf32, #tpu.memory_space<vmem>>, vector<16xf32>,
        %add3A_161 = arith.addf %get3A_157, %get3A_160 : vector<16xf32>
        %get3A_162 = arith.index_cast %select_n3A : i32 to index
        %get3A_163 = arith.constant 112 : index
        %get3A_164 = tpu.vector_load %arg12[%get3A_162, %get3A_163] {strides = array<i32>} : memref<200x128xf32, #tpu.memory_space<vmem>>, vector<16xf32>,
        %add3A_165 = arith.addf %add3A_161, %get3A_164 : vector<16xf32>
        %mul3A_166 = arith.mulf %add3A_88, %add3A_88 : vector<16xf32>
        %add3A_167 = arith.addf %add3A_88, %add3A_99 : vector<16xf32>
        %mul3A_168 = arith.mulf %add3A_99, %add3A_99 : vector<16xf32>
        %add3A_169 = arith.addf %mul3A_166, %mul3A_168 : vector<16xf32>
        %add3A_170 = arith.addf %add3A_167, %add3A_110 : vector<16xf32>
        %mul3A_171 = arith.mulf %add3A_110, %add3A_110 : vector<16xf32>
        %add3A_172 = arith.addf %add3A_169, %mul3A_171 : vector<16xf32>
        %add3A_173 = arith.addf %add3A_170, %add3A_121 : vector<16xf32>
        %mul3A_174 = arith.mulf %add3A_121, %add3A_121 : vector<16xf32>
        %add3A_175 = arith.addf %add3A_172, %mul3A_174 : vector<16xf32>
        %add3A_176 = arith.addf %add3A_173, %add3A_132 : vector<16xf32>
        %mul3A_177 = arith.mulf %add3A_132, %add3A_132 : vector<16xf32>
        %add3A_178 = arith.addf %add3A_175, %mul3A_177 : vector<16xf32>
        %add3A_179 = arith.addf %add3A_176, %add3A_143 : vector<16xf32>
        %mul3A_180 = arith.mulf %add3A_143, %add3A_143 : vector<16xf32>
        %add3A_181 = arith.addf %add3A_178, %mul3A_180 : vector<16xf32>
        %add3A_182 = arith.addf %add3A_179, %add3A_154 : vector<16xf32>
        %mul3A_183 = arith.mulf %add3A_154, %add3A_154 : vector<16xf32>
        %add3A_184 = arith.addf %add3A_181, %mul3A_183 : vector<16xf32>
        %add3A_185 = arith.addf %add3A_182, %add3A_165 : vector<16xf32>
        %mul3A_186 = arith.mulf %add3A_165, %add3A_165 : vector<16xf32>
        %add3A_187 = arith.addf %add3A_184, %mul3A_186 : vector<16xf32>
        %reduce_sum3A = arith.constant true
        %reduce_sum3A_188 = vector.broadcast %reduce_sum3A : i1 to vector<16xi1>
        %reduce_sum3A_189 = tpu.scan <sum>, %add3A_185 masked %reduce_sum3A_188 : vector<16xf32>, vector<16xi1> -> vector<16xf32>
        %reduce_sum3A_190 = vector.extract %reduce_sum3A_189[15] : f32 from vector<16xf32>
        %reduce_sum3A_191 = arith.constant true
        %reduce_sum3A_192 = vector.broadcast %reduce_sum3A_191 : i1 to vector<16xi1>
        %reduce_sum3A_193 = tpu.scan <sum>, %add3A_187 masked %reduce_sum3A_192 : vector<16xf32>, vector<16xi1> -> vector<16xf32>
        %reduce_sum3A_194 = vector.extract %reduce_sum3A_193[15] : f32 from vector<16xf32>
        %broadcast_in_dim3A = vector.broadcast %reduce_sum3A_190 : f32 to vector<16xf32>
        %mul3A_195 = arith.constant 7.812500e-03 : f32
        %mul3A_196 = vector.broadcast %mul3A_195 : f32 to vector<16xf32>
        %mul3A_197 = arith.mulf %broadcast_in_dim3A, %mul3A_196 : vector<16xf32>
        %broadcast_in_dim3A_198 = vector.broadcast %reduce_sum3A_194 : f32 to vector<16xf32>
        %mul3A_199 = arith.constant 7.812500e-03 : f32
        %mul3A_200 = vector.broadcast %mul3A_199 : f32 to vector<16xf32>
        %mul3A_201 = arith.mulf %broadcast_in_dim3A_198, %mul3A_200 : vector<16xf32>
        %mul3A_202 = arith.mulf %mul3A_197, %mul3A_197 : vector<16xf32>
        %sub3A_203 = arith.subf %mul3A_201, %mul3A_202 : vector<16xf32>
        %add3A_204 = arith.constant 9.99999993E-9 : f32
        %add3A_205 = vector.broadcast %add3A_204 : f32 to vector<16xf32>
        %add3A_206 = arith.addf %sub3A_203, %add3A_205 : vector<16xf32>
        %bitcast3A = vector.bitcast %add3A_206 : vector<16xf32> to vector<16xi32>
        %shift_right_arithmetic3A = arith.constant 1 : i32
        %shift_right_arithmetic3A_207 = vector.broadcast %shift_right_arithmetic3A : i32 to vector<16xi32>
        %shift_right_arithmetic3A_208 = arith.shrsi %bitcast3A, %shift_right_arithmetic3A_207 : vector<16xi32>
        %sub3A_209 = arith.constant 1597463007 : i32
        %sub3A_210 = vector.broadcast %sub3A_209 : i32 to vector<16xi32>
        %sub3A_211 = arith.subi %sub3A_210, %shift_right_arithmetic3A_208 : vector<16xi32>
        %bitcast3A_212 = vector.bitcast %sub3A_211 : vector<16xi32> to vector<16xf32>
        %mul3A_213 = arith.constant 5.000000e-01 : f32
        %mul3A_214 = vector.broadcast %mul3A_213 : f32 to vector<16xf32>
        %mul3A_215 = arith.mulf %mul3A_214, %add3A_206 : vector<16xf32>
        %mul3A_216 = arith.mulf %mul3A_215, %bitcast3A_212 : vector<16xf32>
        %mul3A_217 = arith.mulf %mul3A_216, %bitcast3A_212 : vector<16xf32>
        %sub3A_218 = arith.constant 1.500000e+00 : f32
        %sub3A_219 = vector.broadcast %sub3A_218 : f32 to vector<16xf32>
        %sub3A_220 = arith.subf %sub3A_219, %mul3A_217 : vector<16xf32>
        %mul3A_221 = arith.mulf %bitcast3A_212, %sub3A_220 : vector<16xf32>
        %mul3A_222 = arith.constant 5.000000e-01 : f32
        %mul3A_223 = vector.broadcast %mul3A_222 : f32 to vector<16xf32>
        %mul3A_224 = arith.mulf %mul3A_223, %add3A_206 : vector<16xf32>
        %mul3A_225 = arith.mulf %mul3A_224, %mul3A_221 : vector<16xf32>
        %mul3A_226 = arith.mulf %mul3A_225, %mul3A_221 : vector<16xf32>
        %sub3A_227 = arith.constant 1.500000e+00 : f32
        %sub3A_228 = vector.broadcast %sub3A_227 : f32 to vector<16xf32>
        %sub3A_229 = arith.subf %sub3A_228, %mul3A_226 : vector<16xf32>
        %mul3A_230 = arith.mulf %mul3A_221, %sub3A_229 : vector<16xf32>
        %mul3A_231 = arith.constant 5.000000e-01 : f32
        %mul3A_232 = vector.broadcast %mul3A_231 : f32 to vector<16xf32>
        %mul3A_233 = arith.mulf %mul3A_232, %add3A_206 : vector<16xf32>
        %mul3A_234 = arith.mulf %mul3A_233, %mul3A_230 : vector<16xf32>
        %mul3A_235 = arith.mulf %mul3A_234, %mul3A_230 : vector<16xf32>
        %sub3A_236 = arith.constant 1.500000e+00 : f32
        %sub3A_237 = vector.broadcast %sub3A_236 : f32 to vector<16xf32>
        %sub3A_238 = arith.subf %sub3A_237, %mul3A_235 : vector<16xf32>
        %mul3A_239 = arith.mulf %mul3A_230, %sub3A_238 : vector<16xf32>
        %sub3A_240 = arith.subf %add3A_88, %mul3A_197 : vector<16xf32>
        %mul3A_241 = arith.mulf %sub3A_240, %mul3A_239 : vector<16xf32>
        %mul3A_242 = arith.mulf %mul3A_241, %get3A_1 : vector<16xf32>
        %add3A_243 = arith.addf %mul3A_242, %get3A_17 : vector<16xf32>
        %swap3A = arith.index_cast %scan3A_74 : i32 to index
        %swap3A_244 = arith.constant 0 : index
        %swap3A_245 = tpu.vector_load %arg15[%swap3A, %swap3A_244] {strides = array<i32>} : memref<128x128xf32, #tpu.memory_space<vmem>>, vector<16xf32>,
        tpu.vector_store %arg15[%swap3A, %swap3A_244], %add3A_243 {strides = array<i32>} : memref<128x128xf32, #tpu.memory_space<vmem>>, vector<16xf32>,
        %sub3A_246 = arith.subf %add3A_99, %mul3A_197 : vector<16xf32>
        %mul3A_247 = arith.mulf %sub3A_246, %mul3A_239 : vector<16xf32>
        %mul3A_248 = arith.mulf %mul3A_247, %get3A_3 : vector<16xf32>
        %add3A_249 = arith.addf %mul3A_248, %get3A_19 : vector<16xf32>
        %swap3A_250 = arith.index_cast %scan3A_74 : i32 to index
        %swap3A_251 = arith.constant 16 : index
        %swap3A_252 = tpu.vector_load %arg15[%swap3A_250, %swap3A_251] {strides = array<i32>} : memref<128x128xf32, #tpu.memory_space<vmem>>, vector<16xf32>,
        tpu.vector_store %arg15[%swap3A_250, %swap3A_251], %add3A_249 {strides = array<i32>} : memref<128x128xf32, #tpu.memory_space<vmem>>, vector<16xf32>,
        %sub3A_253 = arith.subf %add3A_110, %mul3A_197 : vector<16xf32>
        %mul3A_254 = arith.mulf %sub3A_253, %mul3A_239 : vector<16xf32>
        %mul3A_255 = arith.mulf %mul3A_254, %get3A_5 : vector<16xf32>
        %add3A_256 = arith.addf %mul3A_255, %get3A_21 : vector<16xf32>
        %swap3A_257 = arith.index_cast %scan3A_74 : i32 to index
        %swap3A_258 = arith.constant 32 : index
        %swap3A_259 = tpu.vector_load %arg15[%swap3A_257, %swap3A_258] {strides = array<i32>} : memref<128x128xf32, #tpu.memory_space<vmem>>, vector<16xf32>,
        tpu.vector_store %arg15[%swap3A_257, %swap3A_258], %add3A_256 {strides = array<i32>} : memref<128x128xf32, #tpu.memory_space<vmem>>, vector<16xf32>,
        %sub3A_260 = arith.subf %add3A_121, %mul3A_197 : vector<16xf32>
        %mul3A_261 = arith.mulf %sub3A_260, %mul3A_239 : vector<16xf32>
        %mul3A_262 = arith.mulf %mul3A_261, %get3A_7 : vector<16xf32>
        %add3A_263 = arith.addf %mul3A_262, %get3A_23 : vector<16xf32>
        %swap3A_264 = arith.index_cast %scan3A_74 : i32 to index
        %swap3A_265 = arith.constant 48 : index
        %swap3A_266 = tpu.vector_load %arg15[%swap3A_264, %swap3A_265] {strides = array<i32>} : memref<128x128xf32, #tpu.memory_space<vmem>>, vector<16xf32>,
        tpu.vector_store %arg15[%swap3A_264, %swap3A_265], %add3A_263 {strides = array<i32>} : memref<128x128xf32, #tpu.memory_space<vmem>>, vector<16xf32>,
        %sub3A_267 = arith.subf %add3A_132, %mul3A_197 : vector<16xf32>
        %mul3A_268 = arith.mulf %sub3A_267, %mul3A_239 : vector<16xf32>
        %mul3A_269 = arith.mulf %mul3A_268, %get3A_9 : vector<16xf32>
        %add3A_270 = arith.addf %mul3A_269, %get3A_25 : vector<16xf32>
        %swap3A_271 = arith.index_cast %scan3A_74 : i32 to index
        %swap3A_272 = arith.constant 64 : index
        %swap3A_273 = tpu.vector_load %arg15[%swap3A_271, %swap3A_272] {strides = array<i32>} : memref<128x128xf32, #tpu.memory_space<vmem>>, vector<16xf32>,
        tpu.vector_store %arg15[%swap3A_271, %swap3A_272], %add3A_270 {strides = array<i32>} : memref<128x128xf32, #tpu.memory_space<vmem>>, vector<16xf32>,
        %sub3A_274 = arith.subf %add3A_143, %mul3A_197 : vector<16xf32>
        %mul3A_275 = arith.mulf %sub3A_274, %mul3A_239 : vector<16xf32>
        %mul3A_276 = arith.mulf %mul3A_275, %get3A_11 : vector<16xf32>
        %add3A_277 = arith.addf %mul3A_276, %get3A_27 : vector<16xf32>
        %swap3A_278 = arith.index_cast %scan3A_74 : i32 to index
        %swap3A_279 = arith.constant 80 : index
        %swap3A_280 = tpu.vector_load %arg15[%swap3A_278, %swap3A_279] {strides = array<i32>} : memref<128x128xf32, #tpu.memory_space<vmem>>, vector<16xf32>,
        tpu.vector_store %arg15[%swap3A_278, %swap3A_279], %add3A_277 {strides = array<i32>} : memref<128x128xf32, #tpu.memory_space<vmem>>, vector<16xf32>,
        %sub3A_281 = arith.subf %add3A_154, %mul3A_197 : vector<16xf32>
        %mul3A_282 = arith.mulf %sub3A_281, %mul3A_239 : vector<16xf32>
        %mul3A_283 = arith.mulf %mul3A_282, %get3A_13 : vector<16xf32>
        %add3A_284 = arith.addf %mul3A_283, %get3A_29 : vector<16xf32>
        %swap3A_285 = arith.index_cast %scan3A_74 : i32 to index
        %swap3A_286 = arith.constant 96 : index
        %swap3A_287 = tpu.vector_load %arg15[%swap3A_285, %swap3A_286] {strides = array<i32>} : memref<128x128xf32, #tpu.memory_space<vmem>>, vector<16xf32>,
        tpu.vector_store %arg15[%swap3A_285, %swap3A_286], %add3A_284 {strides = array<i32>} : memref<128x128xf32, #tpu.memory_space<vmem>>, vector<16xf32>,
        %sub3A_288 = arith.subf %add3A_165, %mul3A_197 : vector<16xf32>
        %mul3A_289 = arith.mulf %sub3A_288, %mul3A_239 : vector<16xf32>
        %mul3A_290 = arith.mulf %mul3A_289, %get3A_15 : vector<16xf32>
        %add3A_291 = arith.addf %mul3A_290, %get3A_31 : vector<16xf32>
        %swap3A_292 = arith.index_cast %scan3A_74 : i32 to index
        %swap3A_293 = arith.constant 112 : index
        %swap3A_294 = tpu.vector_load %arg15[%swap3A_292, %swap3A_293] {strides = array<i32>} : memref<128x128xf32, #tpu.memory_space<vmem>>, vector<16xf32>,
        tpu.vector_store %arg15[%swap3A_292, %swap3A_293], %add3A_291 {strides = array<i32>} : memref<128x128xf32, #tpu.memory_space<vmem>>, vector<16xf32>,
      }
      %scan3A_70 = arith.constant 128 : i32
      %mul3A_71 = arith.constant 128 : i32
      %mul3A_72 = arith.muli %scan3A_39, %mul3A_71 : i32
      %add3A_73 = arith.addi %mul3A_33, %mul3A_72 : i32
      "tpu.region"() ({
        %run_scoped3A = tpu.sem_alloc : memref<!tpu.dma_semaphore, #tpu.memory_space<semaphore_mem>>
        %dma_start3A_74 = arith.constant 0 : i32
        %dma_start3A_75 = tpu.memref_slice %arg9[%add3A_73, %dma_start3A_74] : memref<204800x128xf32, #tpu.memory_space<hbm>> -> memref<128x128xf32, #tpu.memory_space<hbm>>
        %dma_start3A_76 = arith.constant 0 : i32
        %dma_start3A_77 = tpu.memref_slice %arg9[%add3A_73, %dma_start3A_76] : memref<204800x128xf32, #tpu.memory_space<hbm>> -> memref<128x128xf32, #tpu.memory_space<hbm>>
        tpu.enqueue_dma source(%arg15 : memref<128x128xf32, #tpu.memory_space<vmem>>) target(%dma_start3A_77 : memref<128x128xf32, #tpu.memory_space<hbm>>) target_semaphore(%run_scoped3A : memref<!tpu.dma_semaphore, #tpu.memory_space<semaphore_mem>>)
        %dma_wait3A_78 = arith.constant 0 : i32
        %dma_wait3A_79 = tpu.memref_slice %arg9[%add3A_73, %dma_wait3A_78] : memref<204800x128xf32, #tpu.memory_space<hbm>> -> memref<128x128xf32, #tpu.memory_space<hbm>>
        %dma_wait3A_80 = arith.constant 0 : i32
        %dma_wait3A_81 = tpu.memref_slice %arg9[%add3A_73, %dma_wait3A_80] : memref<204800x128xf32, #tpu.memory_space<hbm>> -> memref<128x128xf32, #tpu.memory_space<hbm>>
        tpu.wait_dma2 semaphore(%run_scoped3A : memref<!tpu.dma_semaphore, #tpu.memory_space<semaphore_mem>>) src(%arg15 : memref<128x128xf32, #tpu.memory_space<vmem>>) dst(%dma_wait3A_81 : memref<128x128xf32, #tpu.memory_space<hbm>>)
        tpu.yield
      }) : () -> ()
    }
    %scan3A_38 = arith.constant 50 : i32
    return
  }
}

</mosaic_0001>

<sc_bundles>
// kernel: kernel.3.cloned.1.call-start
scs
__scs_entry_jumppad:
0x0: {  	(pc) =	sbr.rel $0x88, $3  }
0x1: {  	(tag) =	ssettag $0x0;
	lr =	simm.s32 $0x1  }
0x2: {  	[smem:$0x3F9A] =	sst lr;
	_ =	strace $0xD0000000  }
0x3: {  	_ = 	snop  }
0x4: {  	_ = 	snop  }
0x5: {  	_ = 	snop  }
0x6: {  	_ = 	snop  }
0x7: {  	_ = 	snop  }
__scs_overlays_trampoline_lowered:
0x8: {  	[smem:$0x3FA9] =	sst s0  }
0x9: {  	[smem:$0x3FAA] =	sst s1  }
0xa: {  	[smem:$0x3FAB] =	sst s2  }
0xb: {  	[smem:$0x3FAC] =	sst s3  }
0xc: {  	[smem:$0x3FAD] =	sst s4  }
0xd: {  	[smem:$0x3FAE] =	sst s5  }
0xe: {  	[smem:$0x3FAF] =	sst s6  }
0xf: {  	[smem:$0x3FB0] =	sst s7  }
0x10: {  	[smem:$0x3FB1] =	sst s8  }
0x11: {  	[smem:$0x3FB2] =	sst s9;
	s0 =	simm.s32 @!p0 $0x0  }
0x12: {  	s1 =	sld [smem:$0x3F98];
	s0 =	simm.s32 @p0 $0x1  }
0x13: {  	[smem:$0x3FB3] =	sst s0;
	s0 =	simm.s32 @!p1 $0x0  }
0x14: {  	s2 =	sld [smem:$0x3F97];
	s0 =	simm.s32 @p1 $0x1  }
0x15: {  	[smem:$0x3FB4] =	sst s0;
	s0 =	simm.s32 @!p2 $0x0  }
0x16: {  	s3 =	sld [smem:$0x3FDB];
	s0 =	simm.s32 @p2 $0x1  }
0x17: {  	s4 =	simm.s32 $0x1BF5;
	[smem:$0x3FB6] =	sst s0  }
0x18: {  	s0 =	sld [smem:$0x3F99];
	_ =	swait.ge [sflag:s4], $0x0  }
0x19: {  	s7 =	sld [smem:$0x3F9A]  }
0x1a: {  	s8 =	sadd.s32 $0xFFFFE003, lr  }
0x1b: {  	s9 =	sadd.s32 $0xFFFFFEF7, lr;
	s5 =	simm.s32 $0xFFFFFFFF;
	p2 =	slt.u32 s8, $0xFFFFF086  }
0x1c: {  	p1 =	slt.u32 s9, $0xF7A;
	s5 =	simm.s32 @!p2 $0x0  }
0x1d: {  	s5 =	simm.s32 @p1 $0x1;
	p0 =	seq.s32 s7, s2  }
0x1e: {  	s7 =	smul.u32 @!p0 $0xF7A, s2;
	p2 =	seq.s32 @!p0 s5, $0x0  }
0x1f: {  	s9 =	smul.u32 $0xF7A, s1;
	s8 =	simm.s32 @!p0 $0x1BF5;
	p2 =	por !p2, p0  }
0x20: {  	[sflag:s8] =	ssyncset.s32 @!p0 $0xFFFFF086;
	s6 =	sadd.s32 @!p0 s3, s7;
	s7 =	simm.s32 @!p0 $0x108  }
0x21: {  	s3 =	sadd.s32 s3, s9;
	s6 =	sadd.s32 @!p0 $0x88, s6;
	s7 =	simm.s32 @p2 $0x1082  }
0x22: {  	[simem:s7], [sflag:s8] =	dma.local @!p0 [hbm:s6], $0xF7A  }
0x23: {  	s9 =	sor.u32 $0xD0000000, s2;
	s6 =	simm.s32 $0x108;
	_ =	swait.ge @!p0 [sflag:s8], $0x0  }
0x24: {  	s3 =	sadd.s32 $0x88, s3;
	s6 =	simm.s32 @!p1 $0x1082;
	[sflag:s4] =	ssyncset.s32 $0xFFFFF086  }
0x25: {  	[simem:s6], [sflag:s4] =	dma.local [hbm:s3], $0xF7A  }
0x26: {  	[smem:$0x3F9A] =	sst s1;
	(tag) =	ssettag s2;
	_ =	strace s9  }
0x27: {  	s1 =	sld [smem:$0x3FAA]  }
0x28: {  	s2 =	sld [smem:$0x3FAB]  }
0x29: {  	s4 =	sld [smem:$0x3FAD]  }
0x2a: {  	p0 =	seq.s32 s5, $0x0;
	s5 =	sld [smem:$0x3FAE]  }
0x2b: {  	s6 =	sld [smem:$0x3FAF]  }
0x2c: {  	s7 =	sld [smem:$0x3FB0]  }
0x2d: {  	s3 =	simm.s32 $0x108;
	s8 =	sld [smem:$0x3FB1]  }
0x2e: {  	s3 =	simm.s32 @!p0 $0x1082;
	s9 =	sld [smem:$0x3FB2]  }
0x2f: {  	lr =	sadd.s32 s0, s3;
	s0 =	sld [smem:$0x3FA9]  }
0x30: {  	s3 =	sld [smem:$0x3FAC]  }
0x31: {  	[smem:$0x3FB5] =	sst s10  }
0x32: {  	s10 =	sld [smem:$0x3FB3];
	_ =	sdelay $0x3  }
0x33: {  	p0 =	seq.s32 s10, $0x1;
	s10 =	sld [smem:$0x3FB5];
	_ =	sdelay $0x3  }
0x34: {  	[smem:$0x3FB5] =	sst s10  }
0x35: {  	s10 =	sld [smem:$0x3FB4];
	_ =	sdelay $0x3  }
0x36: {  	p1 =	seq.s32 s10, $0x1;
	s10 =	sld [smem:$0x3FB5];
	_ =	sdelay $0x3  }
0x37: {  	[smem:$0x3FB5] =	sst s10  }
0x38: {  	s10 =	sld [smem:$0x3FB6]  }
0x39: {  	_ = 	snop;
	(pc) =	sbr.ind lr, $3  }
0x3a: {  	_ = 	snop  }
0x3b: {  	_ = 	snop  }
0x3c: {  	p2 =	seq.s32 s10, $0x1;
	s10 =	sld [smem:$0x3FB5]  }
0x3d: {  	_ =	shalt  }
0x3e: {  	_ =	shalt  }
0x3f: {  	_ =	shalt  }
0x40: {  	_ =	shalt  }
0x41: {  	_ =	shalt  }
0x42: {  	_ =	shalt  }
0x43: {  	_ =	shalt  }
0x44: {  	_ =	shalt  }
0x45: {  	_ =	shalt  }
0x46: {  	_ =	shalt  }
0x47: {  	_ =	shalt  }
0x48: {  	_ =	shalt  }
0x49: {  	_ =	shalt  }
0x4a: {  	_ =	shalt  }
0x4b: {  	_ =	shalt  }
0x4c: {  	_ =	shalt  }
0x4d: {  	_ =	shalt  }
0x4e: {  	_ =	shalt  }
0x4f: {  	_ =	shalt  }
0x50: {  	_ =	shalt  }
0x51: {  	_ =	shalt  }
0x52: {  	_ =	shalt  }
0x53: {  	_ =	shalt  }
0x54: {  	_ =	shalt  }
0x55: {  	_ =	shalt  }
0x56: {  	_ =	shalt  }
0x57: {  	_ =	shalt  }
0x58: {  	_ =	shalt  }
0x59: {  	_ =	shalt  }
0x5a: {  	_ =	shalt  }
0x5b: {  	_ =	shalt  }
0x5c: {  	_ =	shalt  }
0x5d: {  	_ =	shalt  }
0x5e: {  	_ =	shalt  }
0x5f: {  	_ =	shalt  }
0x60: {  	_ =	shalt  }
0x61: {  	_ =	shalt  }
0x62: {  	_ =	shalt  }
0x63: {  	_ =	shalt  }
0x64: {  	_ =	shalt  }
0x65: {  	_ =	shalt  }
0x66: {  	_ =	shalt  }
0x67: {  	_ =	shalt  }
0x68: {  	_ =	shalt  }
0x69: {  	_ =	shalt  }
0x6a: {  	_ =	shalt  }
0x6b: {  	_ =	shalt  }
0x6c: {  	_ =	shalt  }
0x6d: {  	_ =	shalt  }
0x6e: {  	_ =	shalt  }
0x6f: {  	_ =	shalt  }
0x70: {  	_ =	shalt  }
0x71: {  	_ =	shalt  }
0x72: {  	_ =	shalt  }
0x73: {  	_ =	shalt  }
0x74: {  	_ =	shalt  }
0x75: {  	_ =	shalt  }
0x76: {  	_ =	shalt  }
0x77: {  	_ =	shalt  }
0x78: {  	_ =	shalt  }
0x79: {  	_ =	shalt  }
0x7a: {  	_ =	shalt  }
0x7b: {  	_ =	shalt  }
0x7c: {  	_ =	shalt  }
0x7d: {  	_ =	shalt  }
0x7e: {  	_ =	shalt  }
0x7f: {  	_ =	shalt  }
0x80: {  	_ =	shalt  }
0x81: {  	_ =	shalt  }
0x82: {  	_ =	shalt  }
0x83: {  	_ =	shalt  }
0x84: {  	_ =	shalt  }
0x85: {  	_ =	shalt  }
0x86: {  	_ =	shalt  }
0x87: {  	_ =	shalt  }
.Lfunc_end0:
.L_simem_size_0:
called_computation_lowered:
.L_overlay_start_0:
0x88: {  	s2 =	sld [smem:$0x3FD9]  }
0x89: {  	s3 =	sld [smem:$0x3FFE];
	_ =	sdelay $0x1  }
0x8a: {  	s1 =	srdreg.scid  }
0x8b: {  	s0 =	sand.u32 $0x1, s1  }
0x8c: {  	s17 =	sshll.u32 s0, $0xA;
	s2 =	sadd.s32 s3, s2  }
0x8d: {  	s2 =	sadd.s32 s2, s17  }
0x8e: {  	[smem:$0x3FC1] =	sst s2  }
0x8f: {  	_ = 	snop  }
0x90: {  	s2 =	sld [smem:$0x3FC7]  }
0x91: {  	s18 =	sld [smem:$0x3FC5]  }
0x92: {  	s4 =	sld [smem:$0x3FC4]  }
0x93: {  	s5 =	sld [smem:$0x3FC3]  }
0x94: {  	s6 =	sld [smem:$0x3FD0];
	(tm) =	ssettm $0x1  }
0x95: {  	s7 =	sld [smem:$0x3FFB];
	_ =	sdelay $0x3  }
0x96: {  	_ =	strace s7  }
0x97: {  	s7 =	sld [smem:$0x3FFC];
	_ =	sdelay $0x3  }
0x98: {  	_ =	strace s7  }
0x99: {  	s7 =	sld [smem:$0x3FFD];
	_ =	sdelay $0x3  }
0x9a: {  	_ =	strace s7  }
0x9b: {  	_ =	strace $0x8FFFFFFF  }
0x9c: {  	s19 =	sld [smem:$0x3FDB];
	_ =	sdelay $0x1  }
0x9d: {  	s8 =	simm.s32 $_scs_section_size  }
0x9e: {  	s9 =	simm.s32 $_size__tile_overlayer_lowered;
	s10 =	simm.s32 $_tile_overlayer_lowered  }
0x9f: {  	s22 =	simm.s32 $0x1BFF;
	s21 =	sshll.u32 s10, $0x1;
	s7 =	sadd.s32 s8, s19  }
0xa0: {  	s11 =	simm.s32 $0x0;
	s20 =	sshll.u32 s9, $0x1;
	s9 =	sadd.s32 s21, s7  }
0xa1: {  	[timem:s11], [sflag:s22] =	dma.local [hbm:s9], s20  }
0xa2: {  	_ =	swait.ge [sflag:s22], s20  }
0xa3: {  	s8 =	ssub.s32 $0x0, s20;
	[sflag:s22] =	ssyncset.done $0x0  }
0xa4: {  	[sflag:s22] =	ssyncadd.s32 s8;
	_ =	sdelay $0x1  }
0xa5: {  	s23 =	simm.s32 $0x1B8B  }
0xa6: {  	_ =	swait.ge [sflag:s23], $0x1  }
0xa7: {  	[sflag:s23] =	ssyncset.done $0x0  }
0xa8: {  	s25 =	simm.s32 $0x1B8E;
	s24 =	sld [smem:$0x3FFE];
	[sflag:s23] =	ssyncadd.s32 $0xFFFFFFFF  }
0xa9: {  	s26 =	simm.s32 $execute0_lowered;
	[smem:$0x3FD2] =	sst s25  }
0xaa: {  	s9 =	sshll.u32 s26, $0x1;
	_ =	strace $0x80000046;
	[dreg:$0x1] =	wrdreg $0xFFFFFFFF  }
0xab: {  	s28 =	simm.s32 $_size_execute0_lowered;
	s7 =	sadd.s32 s7, s9;
	[dreg:$0x0] =	wrdreg $0x0  }
0xac: {  	s9 =	sshll.u32 s28, $0x1;
	[dreg:$0x2] =	wrdreg s7  }
0xad: {  	[dreg:$0x3] =	wrdreg s9  }
0xae: {  	[dreg:$0x4] =	wrdreg $0xC0  }
0xaf: {  	_ =	task [dreg:s11], $0x5FFFF  }
0xb0: {  	[dreg:$0x1] =	wrdreg $0xFFFFFFFF  }
0xb1: {  	[dreg:$0x0] =	wrdreg $0x60  }
0xb2: {  	[dreg:$0x2] =	wrdreg s24  }
0xb3: {  	[dreg:$0x3] =	wrdreg s2  }
0xb4: {  	[dreg:$0x4] =	wrdreg s18  }
0xb5: {  	[dreg:$0x5] =	wrdreg s4  }
0xb6: {  	[dreg:$0x6] =	wrdreg s5  }
0xb7: {  	[dreg:$0x7] =	wrdreg s6  }
0xb8: {  	[dreg:$0x8] =	wrdreg $0x9  }
0xb9: {  	_ =	task.clear_ibuf [dreg:s11], $0x9FFFF;
	_ =	strace $0x90000046  }
0xba: {  	s29 =	simm.s32 $0x9;
	_ =	strace $0x80000048  }
0xbb: {  	_ =	swait.ge [sflag:s29], $0x1  }
0xbc: {  	[sflag:s29] =	ssyncadd.s32 $0xFFFFFFFF  }
0xbd: {  	_ =	strace $0x90000048  }
0xbe: {  	_ =	sfence  }
0xbf: {  	s30 =	sld [smem:$0x0];
	_ =	sdelay $0x2  }
0xc0: {  	s31 =	sshll.u32 s1, $0xD;
	s1 =	sshrl.u32 s1, $0x2  }
0xc1: {  	s3 =	sand.u32 $0x4000, s31;
	s1 =	sadd.s32 s1, s30  }
0xc2: {  	s0 =	sor.u32 s3, s0;
	s1 =	sshll.u32 s1, $0x11  }
0xc3: {  	s0 =	sor.u32 s1, s0  }
0xc4: {  	s0 =	sadd.s32 $0x8F2B, s0  }
0xc5: {  	[sflag:s0] =	ssyncadd.remote.s32 $0x1  }
0xc6: {  	_ =	sfence.sel $0xFFFF  }
0xc7: {  	[dreg:$0x0] =	wrdreg $0xFFFFFFFF;
	(pc) =	sbr.abs _section_cstart, $3  }
0xc8: {  	[dreg:$0x1] =	wrdreg $0xFFFFFFFF  }
0xc9: {  	_ =	task.clear_ibuf [dreg:s11], $0x2FFFF;
	_ =	strace $0x9FFFFFFF  }
0xca: {  	(tm) =	ssettm $0x7FFFFFFF  }
0xcb: {  	_ =	shalt  }
tec
execute0_lowered:
.L_overlay_start_1:
0x0: {  	(tag) =	ssettag $0x1  }
0x1: {  	s1 =	rddreg [dreg:$0x0]  }
0x2: {  	s0 =	rddreg [dreg:$0x1]  }
0x3: {  	s2 =	rddreg [dreg:$0x2];
	s4 =	srdreg.scid  }
0x4: {  	s3 =	stileid.u32;
	s6 =	rddreg [dreg:$0x5]  }
0x5: {  	s7 =	simm.s32 $0x0;
	s13 =	simm.s32 $0x3;
	s14 =	simm.s32 $0x1C00  }
0x6: {  	s15 =	simm.s32 $0x3800;
	s16 =	simm.s32 $0x9C00;
	s17 =	simm.s32 $0x9C80  }
0x7: {  	s18 =	simm.s32 $0x80;
	s19 =	simm.s32 $0x9D00;
	s20 =	simm.s32 $0xDD00  }
0x8: {  	s21 =	simm.s32 $0x1;
	s4 =	sand.u32 $0x1, s4;
	s8 =	sshll.u32 s3, $0x1  }
0x9: {  	s22 =	simm.s32 $0x2;
	s23 =	simm.s32 $0x0;
	s11 =	sor.u32 s4, s8  }
0xa: {  	[smem:$0x7FF] =	sst s7;
	s4 =	ssub.s32 $0x2, s4;
	s8 =	smul.u32 $0x380, s11  }
0xb: {  	_ =	strace $0x80000047;
	s9 =	sshrl.u32 s4, $0x1;
	s11 =	smul.u32 $0x1900, s11  }
0xc: {  	s31 =	ssub.s32 s4, s9;
	s10 =	sadd.s32 s8, s1;
	s8 =	sadd.s32 $0x400, s1  }
0xd: {  	s12 =	smax.u32 s31, $0x1;
	s9 =	sadd.s32 $0x1200, s10;
	s10 =	sadd.s32 $0x8200, s10  }
.LBB2_1:
0xe: {  	[tilespmem:s7], [sflag:$0x3] =	stream.linear.gather [hbm4b:s9+s7], $0x1900, $0x38;
	[tilespmem:$0x11D00] =	vst v63  }
0xf: {  	_ =	swait.ge [sflag:s13], $0x1900  }
0x10: {  	[sflag:s13] =	ssyncset.done $0x0  }
0x11: {  	[sflag:s13] =	ssyncadd.s32 $0xFFFFE700  }
0x12: {  	[tilespmem:s14], [sflag:$0x3] =	stream.linear.gather [hbm4b:s10+s7], $0x1900, $0x38;
	[tilespmem:$0x11D00] =	vst v63  }
0x13: {  	_ =	swait.ge [sflag:s13], $0x1900  }
0x14: {  	[sflag:s13] =	ssyncset.done $0x0  }
0x15: {  	[sflag:s13] =	ssyncadd.s32 $0xFFFFE700  }
0x16: {  	[tilespmem:s15], [sflag:$0x3] =	stream.linear.gather [hbm4b:s8+s7], $0x6400, $0x38;
	[tilespmem:$0x11D00] =	vst v63  }
0x17: {  	_ =	swait.ge [sflag:s13], $0x6400  }
0x18: {  	[sflag:s13] =	ssyncset.done $0x0  }
0x19: {  	[sflag:s13] =	ssyncadd.s32 $0xFFFF9C00  }
0x1a: {  	s1 =	rddreg [dreg:$0x3]  }
0x1b: {  	[tilespmem:s16], [sflag:$0x3] =	stream.linear.gather [hbm4b:s1+s7], $0x80, $0x38;
	[tilespmem:$0x11D00] =	vst v63  }
0x1c: {  	_ =	swait.ge [sflag:s13], $0x80  }
0x1d: {  	[sflag:s13] =	ssyncset.done $0x0  }
0x1e: {  	[sflag:s13] =	ssyncadd.s32 $0xFFFFFF80  }
0x1f: {  	s31 =	rddreg [dreg:$0x4]  }
0x20: {  	[tilespmem:s17], [sflag:$0x3] =	stream.linear.gather [hbm4b:s31+s7], $0x80, $0x38;
	[tilespmem:$0x11D00] =	vst v63  }
0x21: {  	_ =	swait.ge [sflag:s13], $0x80  }
0x22: {  	[sflag:s13] =	ssyncset.done $0x0  }
0x23: {  	[sflag:s13] =	ssyncadd.s32 $0xFFFFFF80  }
0x24: {  	v0 =	vld [tilespmem:$0x9C00]  }
0x25: {  	v1 =	vld [tilespmem:$0x9C10]  }
0x26: {  	v2 =	vld [tilespmem:$0x9C20]  }
0x27: {  	v3 =	vld [tilespmem:$0x9C30]  }
0x28: {  	v4 =	vld [tilespmem:$0x9C40]  }
0x29: {  	v5 =	vld [tilespmem:$0x9C50]  }
0x2a: {  	v6 =	vld [tilespmem:$0x9C60]  }
0x2b: {  	v7 =	vld [tilespmem:$0x9C70]  }
0x2c: {  	v8 =	vld [tilespmem:$0x9C80]  }
0x2d: {  	v9 =	vld [tilespmem:$0x9C90]  }
0x2e: {  	v10 =	vld [tilespmem:$0x9CA0]  }
0x2f: {  	v11 =	vld [tilespmem:$0x9CB0]  }
0x30: {  	v12 =	vld [tilespmem:$0x9CC0]  }
0x31: {  	v13 =	vld [tilespmem:$0x9CD0]  }
0x32: {  	v14 =	vld [tilespmem:$0x9CE0]  }
0x33: {  	s24 =	simm.s32 $0x0;
	s25 =	simm.s32 $0x0;
	s26 =	simm.s32 $0x0;
	v15 =	vld [tilespmem:$0x9CF0]  }
.LBB2_2:
0x34: {  	s28 =	sshll.u32 s26, $0x7  }
0x35: {  	[tilespmem:s19], [sflag:$0x1] =	stream.indirect.gather [hbm4b:s0+s18], $0x80, s28, s18, $0xb8;
	[tilespmem:$0x11D00] =	vst v63  }
0x36: {  	s1 =	sadd.s32 $0x1C00, s28  }
0x37: {  	[tilespmem:s20], [sflag:$0x2] =	stream.indirect.gather [hbm4b:s2+s18], $0x80, s1, s18, $0xb8;
	[tilespmem:$0x11D00] =	vst v63  }
0x38: {  	_ =	swait.ge [sflag:s21], $0x4000  }
0x39: {  	[sflag:s21] =	ssyncset.done $0x0  }
0x3a: {  	[sflag:s21] =	ssyncadd.s32 $0xFFFFC000  }
0x3b: {  	_ =	swait.ge [sflag:s22], $0x4000  }
0x3c: {  	[sflag:s22] =	ssyncset.done $0x0  }
0x3d: {  	s29 =	simm.s32 $0x0;
	[sflag:s22] =	ssyncadd.s32 $0xFFFFC000  }
0x3e: {  	v16 =	vld [tilespmem:s29+$0xDD30]  }
0x3f: {  	v17 =	vld [tilespmem:s29+$0xDD20]  }
0x40: {  	v18 =	vld [tilespmem:s29+$0xDD10]  }
0x41: {  	s31 =	smulhi.u32 $0x51EB851F, s25;
	v19 =	vld [tilespmem:s29+$0xDD60]  }
0x42: {  	v20 =	vld [tilespmem:s29+$0xDD50]  }
0x43: {  	s1 =	sshrl.u32 s31, $0x6;
	v21 =	vld [tilespmem:s29+$0xDD40]  }
0x44: {  	s4 =	smul.u32 $0xC8, s1;
	v22 =	vld [tilespmem:s29+$0xDD70]  }
0x45: {  	s1 =	smul.u32 $0x6400, s1;
	v23 =	vld [tilespmem:s29+$0xDD00]  }
0x46: {  	v24 =	vld [tilespmem:s29+$0x9D00]  }
0x47: {  	s30 =	ssub.s32 s25, s4;
	s5 =	ssub.s32 s24, s1;
	v25 =	vld [tilespmem:s29+$0x9D10]  }
0x48: {  	p0 =	sgt.u32 s30, $0xC7;
	s1 =	sadd.s32 $0xFFFF9C00, s5;
	s4 =	smov.u32 s5;
	v26 =	vld [tilespmem:s29+$0x9D20]  }
0x49: {  	s4 =	smov.u32 @p0 s1;
	v27 =	vld [tilespmem:s29+$0x9D30]  }
0x4a: {  	v28 =	vld [tilespmem:s4+$0x3810]  }
0x4b: {  	v29 =	vld [tilespmem:s4+$0x3800]  }
0x4c: {  	v30 =	vld [tilespmem:s4+$0x3820]  }
0x4d: {  	v31 =	vld [tilespmem:s29+$0x9D40]  }
0x4e: {  	v18 =	vadd.f32 v18, v25;
	v23 =	vadd.f32 v23, v24;
	v24 =	vld [tilespmem:s4+$0x3830]  }
0x4f: {  	v17 =	vadd.f32 v17, v26;
	v25 =	vld [tilespmem:s29+$0x9D50]  }
0x50: {  	v26 =	vld [tilespmem:s4+$0x3840];
	v18 =	vadd.f32 v28, v18;
	v23 =	vadd.f32 v29, v23  }
0x51: {  	v32 =	vld [tilespmem:s4+$0x3850];
	v16 =	vadd.f32 v16, v27;
	v27 =	vadd.f32 v30, v17  }
0x52: {  	v17 =	vld [tilespmem:s29+$0x9D60];
	v55 =	vmul.f32 v23, v23;
	v29 =	vadd.f32 v18, v23;
	v56 =	vmul.f32 v18, v18  }
0x53: {  	v57 =	vld [tilespmem:s29+$0x9D70];
	v21 =	vadd.f32 v21, v31;
	v16 =	vadd.f32 v24, v16  }
0x54: {  	v58 =	vld [tilespmem:s4+$0x3860];
	v59 =	vmul.f32 v27, v27;
	v24 =	vadd.f32 v27, v29;
	v28 =	vadd.f32 v56, v55  }
0x55: {  	v20 =	vadd.f32 v20, v25;
	v21 =	vadd.f32 v26, v21  }
0x56: {  	v25 =	vld [tilespmem:s4+$0x3870];
	v60 =	vmul.f32 v16, v16;
	v24 =	vadd.f32 v16, v24;
	v26 =	vadd.f32 v59, v28  }
0x57: {  	v17 =	vadd.f32 v19, v17;
	v19 =	vadd.f32 v32, v20  }
0x58: {  	v20 =	vadd.f32 v21, v24;
	v24 =	vadd.f32 v60, v26;
	v26 =	vmul.f32 v21, v21  }
0x59: {  	v22 =	vadd.f32 v22, v57;
	v61 =	vadd.f32 v58, v17  }
0x5a: {  	v17 =	vadd.f32 v19, v20;
	v20 =	vadd.f32 v26, v24;
	v24 =	vmul.f32 v19, v19  }
0x5b: {  	v26 =	vadd.f32 v25, v22  }
0x5c: {  	v22 =	vmul.f32 v61, v61;
	v17 =	vadd.f32 v61, v17;
	v20 =	vadd.f32 v24, v20;
	_ =	sdelay $0x1  }
0x5d: {  	v17 =	vadd.f32 v26, v17;
	v20 =	vadd.f32 v22, v20;
	v22 =	vmul.f32 v26, v26;
	_ =	sdelay $0x1  }
0x5e: {  	(xrf2) =	vadd.scan.msk.f32 $0xffff, v17;
	v17 =	vadd.f32 v22, v20;
	_ =	sdelay $0x1  }
0x5f: {  	(xrf2) =	vadd.scan.msk.f32 $0xffff, v17;
	_ =	sdelay $0x7  }
0x60: {  	v17, _, _ =	vpop (xrf2)  }
0x61: {  	v17 =	vmul.f32 $7.812500000e-03, v17  }
0x62: {  	v20, _, _ =	vpop (xrf2)  }
0x63: {  	v20 =	vmul.f32 $7.812500000e-03, v20;
	v22 =	vmul.f32 v17, v17;
	_ =	sdelay $0x1  }
0x64: {  	v20 =	vsub.f32 v20, v22;
	_ =	sdelay $0x1  }
0x65: {  	v20 =	vadd.f32 $9.999999930e-09, v20;
	_ =	sdelay $0x1  }
0x66: {  	v20 =	vbroadcast v20, $0xF;
	_ =	sdelay $0x1  }
0x67: {  	v22 =	vshra.s32 v20, $0x1;
	v24 =	vmul.f32 $5.000000000e-01, v20  }
0x68: {  	v25 =	vsub.s32 $0x5F3759DF, v22  }
0x69: {  	v20 =	vmul.f32 v25, v24;
	_ =	sdelay $0x1  }
0x6a: {  	v20 =	vmul.f32 v25, v20  }
0x6b: {  	v62 =	vbroadcast v17, $0xF  }
0x6c: {  	v63 =	vsub.f32 $1.500000000e+00, v20  }
0x6d: {  	v21 =	vsub.f32 v21, v62;
	v17 =	vsub.f32 v19, v62  }
0x6e: {  	v19 =	vsub.f32 v18, v62;
	v18 =	vsub.f32 v27, v62;
	v25 =	vmul.f32 v25, v63  }
0x6f: {  	v16 =	vsub.f32 v16, v62;
	v22 =	vsub.f32 v61, v62  }
0x70: {  	s4 =	simm.s32 $0x200;
	v20 =	vsub.f32 v23, v62;
	v23 =	vsub.f32 v26, v62;
	v26 =	vmul.f32 v25, v24  }
.LBB2_3:
0x71: {  	p0 =	sne.s32 s4, $0xFE00;
	s30 =	sadd.s32 $0x1, s30;
	s5 =	sadd.s32 $0x80, s5  }
0x72: {  	s1 =	smov.u32 s4;
	s4 =	sadd.s32 $0x200, s4;
	v26 =	vmul.f32 v26, v25;
	_ =	sdelay $0x1  }
0x73: {  	v26 =	vsub.f32 $1.500000000e+00, v26;
	_ =	sdelay $0x1  }
0x74: {  	v25 =	vmul.f32 v26, v25;
	_ =	sdelay $0x1  }
0x75: {  	v24 =	vmul.f32 v25, v24  }
0x76: {  	s1 =	sshra.s32 s1, $0x2  }
0x77: {  	v26 =	vld [tilespmem:s1+$0xDD30];
	v24 =	vmul.f32 v24, v25  }
0x78: {  	v27 =	vld [tilespmem:s1+$0xDD20]  }
0x79: {  	v28 =	vld [tilespmem:s1+$0xDD10];
	v24 =	vsub.f32 $1.500000000e+00, v24;
	_ =	sdelay $0x1  }
0x7a: {  	v24 =	vmul.f32 v24, v25;
	_ =	sdelay $0x1  }
0x7b: {  	v21 =	vmul.f32 v24, v21;
	v17 =	vmul.f32 v24, v17  }
0x7c: {  	v22 =	vmul.f32 v24, v22;
	v23 =	vmul.f32 v24, v23  }
0x7d: {  	v21 =	vmul.f32 v21, v4;
	v17 =	vmul.f32 v17, v5  }
0x7e: {  	v22 =	vmul.f32 v22, v6;
	v23 =	vmul.f32 v23, v7  }
0x7f: {  	v20 =	vmul.f32 v24, v20;
	v21 =	vadd.f32 v21, v12;
	v17 =	vadd.f32 v17, v13  }
0x80: {  	v19 =	vmul.f32 v24, v19;
	v22 =	vadd.f32 v22, v14;
	v23 =	vadd.f32 v23, v15;
	v25 =	vld [tilespmem:s1+$0xDD60]  }
0x81: {  	v18 =	vmul.f32 v24, v18;
	v20 =	vmul.f32 v20, v0;
	v29 =	vld [tilespmem:s1+$0xDD50];
	[tilespmem:s29+$0x9D40] =	vst v21  }
0x82: {  	v16 =	vmul.f32 v24, v16;
	v19 =	vmul.f32 v19, v1;
	v21 =	vld [tilespmem:s1+$0xDD40];
	[tilespmem:s29+$0x9D60] =	vst v22  }
0x83: {  	v18 =	vmul.f32 v18, v2;
	v20 =	vadd.f32 v20, v8;
	v22 =	vld [tilespmem:s1+$0xDD70];
	[tilespmem:s29+$0x9D70] =	vst v23  }
0x84: {  	v16 =	vmul.f32 v16, v3;
	v19 =	vadd.f32 v19, v9;
	v23 =	vld [tilespmem:s1+$0xDD00]  }
0x85: {  	v18 =	vadd.f32 v18, v10;
	v24 =	vld [tilespmem:s1+$0x9D70];
	[tilespmem:s29+$0x9D00] =	vst v20  }
0x86: {  	v16 =	vadd.f32 v16, v11;
	v20 =	vld [tilespmem:s1+$0x9D00];
	[tilespmem:s29+$0x9D10] =	vst v19  }
0x87: {  	v19 =	vld [tilespmem:s1+$0x9D10];
	[tilespmem:s29+$0x9D20] =	vst v18  }
0x88: {  	p1 =	sgt.u32 s30, $0xC7;
	s3 =	sadd.s32 $0xFFFF9C00, s5;
	s31 =	smov.u32 s5;
	v18 =	vld [tilespmem:s1+$0x9D20];
	[tilespmem:s29+$0x9D30] =	vst v16  }
0x89: {  	s31 =	smov.u32 @p1 s3;
	v16 =	vld [tilespmem:s1+$0x9D30];
	[tilespmem:s29+$0x9D50] =	vst v17;
	s29 =	smov.u32 s1  }
0x8a: {  	v17 =	vld [tilespmem:s31+$0x3810]  }
0x8b: {  	v30 =	vld [tilespmem:s31+$0x3800]  }
0x8c: {  	v19 =	vadd.f32 v28, v19;
	v28 =	vld [tilespmem:s31+$0x3820]  }
0x8d: {  	v20 =	vadd.f32 v23, v20;
	v18 =	vadd.f32 v27, v18;
	v23 =	vld [tilespmem:s29+$0x9D40]  }
0x8e: {  	v27 =	vld [tilespmem:s31+$0x3870]  }
0x8f: {  	v19 =	vadd.f32 v17, v19;
	v17 =	vld [tilespmem:s31+$0x3830]  }
0x90: {  	v16 =	vadd.f32 v26, v16;
	v20 =	vadd.f32 v30, v20;
	v26 =	vld [tilespmem:s29+$0x9D50]  }
0x91: {  	v22 =	vadd.f32 v22, v24;
	v18 =	vadd.f32 v28, v18;
	v28 =	vld [tilespmem:s31+$0x3840]  }
0x92: {  	v32 =	vmul.f32 v19, v19;
	v24 =	vld [tilespmem:s29+$0x9D60];
	v30 =	vmul.f32 v20, v20;
	v31 =	vadd.f32 v19, v20  }
0x93: {  	v21 =	vadd.f32 v21, v23;
	v23 =	vld [tilespmem:s31+$0x3850];
	v27 =	vadd.f32 v27, v22  }
0x94: {  	v16 =	vadd.f32 v17, v16;
	v17 =	vadd.f32 v18, v31  }
0x95: {  	v22 =	vadd.f32 v29, v26;
	v26 =	vld [tilespmem:s31+$0x3860];
	v29 =	vadd.f32 v32, v30;
	v30 =	vmul.f32 v18, v18  }
0x96: {  	v21 =	vadd.f32 v28, v21;
	v17 =	vadd.f32 v16, v17  }
0x97: {  	v28 =	vmul.f32 v16, v16;
	v24 =	vadd.f32 v25, v24;
	v25 =	vadd.f32 v30, v29  }
0x98: {  	v22 =	vadd.f32 v23, v22;
	v17 =	vadd.f32 v21, v17  }
0x99: {  	v23 =	vadd.f32 v28, v25;
	v25 =	vmul.f32 v21, v21  }
0x9a: {  	v24 =	vadd.f32 v26, v24;
	v17 =	vadd.f32 v22, v17  }
0x9b: {  	v23 =	vadd.f32 v25, v23;
	v25 =	vmul.f32 v22, v22  }
0x9c: {  	v17 =	vadd.f32 v24, v17  }
0x9d: {  	v23 =	vadd.f32 v25, v23;
	v25 =	vmul.f32 v24, v24  }
0x9e: {  	v17 =	vadd.f32 v27, v17  }
0x9f: {  	v23 =	vadd.f32 v25, v23;
	v25 =	vmul.f32 v27, v27  }
0xa0: {  	(xrf2) =	vadd.scan.msk.f32 $0xffff, v17  }
0xa1: {  	v17 =	vadd.f32 v25, v23;
	_ =	sdelay $0x1  }
0xa2: {  	(xrf2) =	vadd.scan.msk.f32 $0xffff, v17;
	_ =	sdelay $0x6  }
0xa3: {  	v17, _, _ =	vpop (xrf2)  }
0xa4: {  	v17 =	vmul.f32 $7.812500000e-03, v17;
	_ =	sdelay $0x1  }
0xa5: {  	v25 =	vbroadcast v17, $0xF;
	v23, _, _ =	vpop (xrf2)  }
0xa6: {  	v26 =	vmul.f32 v17, v17;
	v23 =	vmul.f32 $7.812500000e-03, v23  }
0xa7: {  	v21 =	vsub.f32 v21, v25;
	v17 =	vsub.f32 v22, v25  }
0xa8: {  	v22 =	vsub.f32 v24, v25;
	v26 =	vsub.f32 v23, v26  }
0xa9: {  	v20 =	vsub.f32 v20, v25;
	v23 =	vsub.f32 v27, v25  }
0xaa: {  	v19 =	vsub.f32 v19, v25;
	v24 =	vadd.f32 $9.999999930e-09, v26  }
0xab: {  	v18 =	vsub.f32 v18, v25;
	v16 =	vsub.f32 v16, v25  }
0xac: {  	v24 =	vbroadcast v24, $0xF;
	_ =	sdelay $0x1  }
0xad: {  	v25 =	vshra.s32 v24, $0x1;
	v24 =	vmul.f32 $5.000000000e-01, v24  }
0xae: {  	v25 =	vsub.s32 $0x5F3759DF, v25  }
0xaf: {  	v26 =	vmul.f32 v25, v24;
	_ =	sdelay $0x1  }
0xb0: {  	v26 =	vmul.f32 v25, v26;
	_ =	sdelay $0x1  }
.Ltmp0:
0xb1: {  	v26 =	vsub.f32 $1.500000000e+00, v26;
	(pc) =	sbr.rel @p0 .LBB2_3-.Ltmp0, $3  }
0xb2: {  	_ = 	snop  }
0xb3: {  	v25 =	vmul.f32 v25, v26;
	_ =	sdelay $0x1  }
0xb4: {  	v26 =	vmul.f32 v25, v24  }
0xb5: {  	_ = 	snop  }
0xb6: {  	v26 =	vmul.f32 v26, v25;
	_ =	sdelay $0x1  }
0xb7: {  	v26 =	vsub.f32 $1.500000000e+00, v26;
	_ =	sdelay $0x1  }
0xb8: {  	v63 =	vmul.f32 v26, v25;
	_ =	sdelay $0x1  }
0xb9: {  	v24 =	vmul.f32 v63, v24;
	_ =	sdelay $0x1  }
0xba: {  	v24 =	vmul.f32 v24, v63;
	_ =	sdelay $0x1  }
0xbb: {  	v24 =	vsub.f32 $1.500000000e+00, v24;
	_ =	sdelay $0x1  }
0xbc: {  	v24 =	vmul.f32 v24, v63;
	_ =	sdelay $0x1  }
0xbd: {  	v21 =	vmul.f32 v24, v21  }
0xbe: {  	v22 =	vmul.f32 v24, v22  }
0xbf: {  	v23 =	vmul.f32 v24, v23;
	v21 =	vmul.f32 v21, v4  }
0xc0: {  	v20 =	vmul.f32 v24, v20;
	v22 =	vmul.f32 v22, v6  }
0xc1: {  	v19 =	vmul.f32 v24, v19;
	v23 =	vmul.f32 v23, v7;
	v21 =	vadd.f32 v21, v12  }
0xc2: {  	v18 =	vmul.f32 v24, v18;
	v20 =	vmul.f32 v20, v0;
	v22 =	vadd.f32 v22, v14  }
0xc3: {  	v16 =	vmul.f32 v24, v16;
	v19 =	vmul.f32 v19, v1;
	v23 =	vadd.f32 v23, v15;
	[tilespmem:s29+$0x9D40] =	vst v21  }
0xc4: {  	v17 =	vmul.f32 v24, v17;
	v18 =	vmul.f32 v18, v2;
	v20 =	vadd.f32 v20, v8;
	[tilespmem:s29+$0x9D60] =	vst v22  }
0xc5: {  	v16 =	vmul.f32 v16, v3;
	v19 =	vadd.f32 v19, v9;
	[tilespmem:s29+$0x9D70] =	vst v23  }
0xc6: {  	v17 =	vmul.f32 v17, v5;
	v18 =	vadd.f32 v18, v10;
	[tilespmem:s29+$0x9D00] =	vst v20  }
0xc7: {  	v16 =	vadd.f32 v16, v11;
	[tilespmem:s29+$0x9D10] =	vst v19  }
0xc8: {  	s1 =	sadd.s32 s11, s28;
	s26 =	sadd.s32 $0x1, s26;
	v17 =	vadd.f32 v17, v13;
	[tilespmem:s29+$0x9D20] =	vst v18  }
0xc9: {  	s1 =	sshll.u32 s1, $0x4;
	p0 =	sne.s32 s26, $0x32;
	[tilespmem:s29+$0x9D30] =	vst v16  }
.Ltmp1:
0xca: {  	s1 =	sadd.s32 s6, s1;
	[tilespmem:s29+$0x9D50] =	vst v17;
	(pc) =	sbr.rel @p0 .LBB2_2-.Ltmp1, $4  }
0xcb: {  	[hbm4b:s1+s7] =	stream.linear.scatter [tilespmem:s19], [sflag:$0x3], $0x4000, $0x38;
	[tilespmem:$0x11D00] =	vst v63  }
0xcc: {  	_ =	swait.ge [sflag:s13], $0x4000  }
0xcd: {  	[sflag:s13] =	ssyncset.done $0x0  }
0xce: {  	s25 =	sadd.s32 $0x80, s25;
	s24 =	sadd.s32 $0x4000, s24;
	[sflag:s13] =	ssyncadd.s32 $0xFFFFC000  }
0xcf: {  	s23 =	sadd.s32 $0x1, s23  }
0xd0: {  	p0 =	sne.s32 s23, s12  }
.Ltmp2:
0xd1: {  	_ = 	snop;
	(pc) =	sbr.rel @p0 .LBB2_1-.Ltmp2, $1  }
0xd2: {  	_ =	sdelay $0x3  }
0xd3: {  	_ =	sfence.sel $0x180000  }
0xd4: {  	[bflag:$0x0] =	sbarrier.arrive $0xFFFF  }
0xd5: {  	_ =	strace $0x90000047  }
0xd6: {  	s0 =	stileid.u32;
	[bflag:$0x2] =	sbarrier.arrive $0xFFFF  }
0xd7: {  	p0 =	sne.s32 s0, $0x0;
	s0 =	rddreg [dreg:$0x6]  }
0xd8: {  	s0 =	sadd.s32 @!p0 $0x100000, s0  }
0xd9: {  	[sflag:s0] =	ssyncadd.tile.s32 @!p0 $0x1;
	_ =	shalt  }
.Lfunc_end2:
_tile_overlayer_lowered:
.L_overlay_start_2:
0xda: {  	(tag) =	ssettag $0x2  }
0xdb: {  	s0 =	rddreg [dreg:$0x0];
	s2 =	stileid.u32  }
0xdc: {  	s1 =	rddreg [dreg:$0x1];
	p0 =	sne.s32 s2, $0x0  }
0xdd: {  	s3 =	rddreg [dreg:$0x2];
	[bflag:$0x3] =	sbarrier.arrive $0xFFFF;
	s2 =	simm.s32 @!p0 $0x1C03  }
0xde: {  	[timem:s3], [sflag:s2] =	dma.local @!p0 [hbm:s0], s1  }
0xdf: {  	s0 =	simm.s32 @!p0 $0x3  }
0xe0: {  	_ =	swait.ge @!p0 [sflag:s0], s1  }
0xe1: {  	s1 =	ssub.s32 @!p0 $0x0, s1;
	[sflag:s0] =	ssyncset.done @!p0 $0x0  }
0xe2: {  	[sflag:s0] =	ssyncadd.s32 @!p0 s1  }
0xe3: {  	[bflag:$0x3] =	sbarrier.arrive $0xFFFF  }
0xe4: {  	_ =	shalt  }

</sc_bundles>
